<compile_context>
chip_gen: v7x
topology: tpu7x:2x2x1
jax: 0.10.2.dev20260603
libtpu: 0.0.44.dev20260713+nightly
codegen_flags: <defaults>
</compile_context>

<pallas_src>
import functools

import jax
import jax.numpy as jnp
from jax import lax
from jax.experimental import pallas as pl
from jax.experimental.pallas import tpu as pltpu
from jax.experimental.pallas import tpu_sc as plsc

_GT_POS_THR = 3.0
_GT_NEG_THR = 5.0
_IMG_W = 512.0
_IMG_H = 512.0
_UNMATCHED = -1
_IGNORE = -2

_ROW_BLOCK = 2048
_LANES = 16


def _reproject(kpts, H):
    ones = jnp.ones(kpts.shape[:-1] + (1,), dtype=kpts.dtype)
    homo = jnp.concatenate([kpts, ones], axis=-1)
    proj = jnp.einsum('bij,bnj->bni', H, homo)
    z = proj[..., 2]
    zs = jnp.where(jnp.abs(z) > 1e-8, z, 1e-8)
    xy = proj[..., :2] / zs[..., None]
    mask = ((z > 1e-8)
            & (xy[..., 0] >= 0.0) & (xy[..., 0] < _IMG_W)
            & (xy[..., 1] >= 0.0) & (xy[..., 1] < _IMG_H))
    return xy, mask


def _dist_block_kernel(qc_ref, kc_ref, iota_ref, md_ref, am_ref):
    qf = qc_ref[0, 0]
    kf = kc_ref[0, 0]
    iota = iota_ref[0, 0]
    aa = lax.transpose(jnp.sum(qf * qf, axis=0, keepdims=True), (1, 0))
    bb = jnp.sum(kf * kf, axis=0, keepdims=True)
    q2 = qf.astype(jnp.bfloat16) * jnp.bfloat16(2.0)
    kb = kf.astype(jnp.bfloat16)
    ab2 = lax.dot_general(q2, kb, (((0,), (0,)), ((), ())),
                          preferred_element_type=jnp.float32)
    d2 = (aa + bb) - ab2
    m = jnp.maximum(jnp.min(d2, axis=1, keepdims=True), 1e-12)
    n = jnp.float32(d2.shape[1])
    amf = jnp.min(jnp.where(d2 <= m, iota, n), axis=1, keepdims=True)
    row = lax.rem(pl.program_id(1), 8)
    md_ref[pl.ds(row, 1), :] = lax.transpose(jnp.sqrt(m), (1, 0))
    am_ref[pl.ds(row, 1), :] = lax.transpose(amf, (1, 0)).astype(jnp.int32)


def _min_argmin(qc, kc):
    two, B, _, N = qc.shape
    iota = jnp.arange(N, dtype=jnp.float32).reshape(1, 1, 1, N)
    md, am = pl.pallas_call(
        _dist_block_kernel,
        grid=(two, B),
        in_specs=[
            pl.BlockSpec((1, 1, 2, N), lambda d, b: (d, b, 0, 0)),
            pl.BlockSpec((1, 1, 2, N), lambda d, b: (d, b, 0, 0)),
            pl.BlockSpec((1, 1, 1, N), lambda d, b: (0, 0, 0, 0)),
        ],
        out_specs=[
            pl.BlockSpec((8, N), lambda d, b: (d * 2 + b // 8, 0)),
            pl.BlockSpec((8, N), lambda d, b: (d * 2 + b // 8, 0)),
        ],
        out_shape=[
            jax.ShapeDtypeStruct((two * B, N), jnp.float32),
            jax.ShapeDtypeStruct((two * B, N), jnp.int32),
        ],
        compiler_params=pltpu.CompilerParams(
            dimension_semantics=("arbitrary", "arbitrary")),
    )(qc, kc, iota)
    return md, am


def _epilogue_body(B, N,
                   am_h, md_h, msk_h, gm0_h, gm1_h, md0_h, md1_h,
                   am0_v, am1_v, md0_v, md1_v, msk_v, gm0_v, gm1_v):
    c = lax.axis_index("c")
    s = lax.axis_index("s")
    wid = s * 2 + c

    @pl.when(wid < B)
    def _():
        b = wid
        pltpu.sync_copy(am_h.at[b], am0_v)
        pltpu.sync_copy(am_h.at[B + b], am1_v)
        pltpu.sync_copy(md_h.at[b], md0_v)
        pltpu.sync_copy(md_h.at[B + b], md1_v)
        pltpu.sync_copy(msk_h.at[b], msk_v)
        lane = lax.iota(jnp.int32, _LANES)

        def body0(i, carry):
            sl = pl.ds(i * _LANES, _LANES)
            idx0 = am0_v[sl]
            back = plsc.load_gather(am1_v, [idx0])
            gi = lane + i * _LANES
            md0 = md0_v[sl]
            msk = msk_v[sl]
            g = jnp.where(back == gi, idx0, _UNMATCHED)
            g = jnp.where(msk == 0, _IGNORE, g)
            g = jnp.where(md0 > _GT_POS_THR, _IGNORE, g)
            g = jnp.where(md0 > _GT_NEG_THR, _UNMATCHED, g)
            gm0_v[sl] = g
            return carry

        lax.fori_loop(0, N // _LANES, body0, 0)

        def body1(j, carry):
            sl = pl.ds(j * _LANES, _LANES)
            ij = am1_v[sl]
            g0 = plsc.load_gather(gm0_v, [ij])
            gj = lane + j * _LANES
            md1 = md1_v[sl]
            base = jnp.where(md1 > _GT_NEG_THR, _UNMATCHED, _IGNORE)
            gm1_v[sl] = jnp.where(g0 == gj, ij, base)
            return carry

        lax.fori_loop(0, N // _LANES, body1, 0)
        pltpu.sync_copy(gm0_v, gm0_h.at[b])
        pltpu.sync_copy(gm1_v, gm1_h.at[b])
        pltpu.sync_copy(md0_v, md0_h.at[b])
        pltpu.sync_copy(md1_v, md1_h.at[b])


def _epilogue(am, md, msk):
    two_b, N = am.shape
    B = two_b // 2
    mesh = plsc.VectorSubcoreMesh(core_axis_name="c", subcore_axis_name="s")
    body = functools.partial(_epilogue_body, B, N)
    f = pl.kernel(
        body,
        mesh=mesh,
        compiler_params=pltpu.CompilerParams(needs_layout_passes=False),
        out_type=[
            jax.ShapeDtypeStruct((B, N), jnp.int32),
            jax.ShapeDtypeStruct((B, N), jnp.int32),
            jax.ShapeDtypeStruct((B, N), jnp.float32),
            jax.ShapeDtypeStruct((B, N), jnp.float32),
        ],
        scratch_types=[
            pltpu.VMEM((N,), jnp.int32),
            pltpu.VMEM((N,), jnp.int32),
            pltpu.VMEM((N,), jnp.float32),
            pltpu.VMEM((N,), jnp.float32),
            pltpu.VMEM((N,), jnp.int32),
            pltpu.VMEM((N,), jnp.int32),
            pltpu.VMEM((N,), jnp.int32),
        ],
    )
    return f(am, md, msk)


def kernel(kpts0, kpts1, transformation):
    B, N0, _ = kpts0.shape
    N1 = kpts1.shape[1]
    transformation_inv = jnp.linalg.inv(transformation)
    kpts0_t, mask0 = _reproject(kpts0, transformation)
    kpts1_t, mask1 = _reproject(kpts1, transformation_inv)

    qc = jnp.swapaxes(jnp.stack([kpts0_t, kpts1_t]), -1, -2)
    kc = jnp.swapaxes(jnp.stack([kpts1, kpts0]), -1, -2)

    md, am = _min_argmin(qc, kc)

    gm0, gm1, min_dist0, min_dist1 = _epilogue(
        am, md, mask0.astype(jnp.int32))
    return (gm0, gm1, min_dist0, min_dist1, kpts0, kpts1)

# --- scband reference (transcript-rebuilt; emitter-appended) ---
"""Pipeline reference for scband-super-point-matches-generator-9019431321862 (READ-ONLY COPY).

The authoritative reference and input builder live on the scoring server;
editing this copy changes nothing except your own understanding.
"""

import jax, jax.numpy as jnp
import numpy as np

GT_POS_THR = 3.0
GT_NEG_THR = 5.0
IMG_W = 512.0
IMG_H = 512.0
UNMATCHED = -1
IGNORE = -2


def setup_inputs(seed: int = 0) -> dict:
    key = jax.random.key(seed)
    k0, k1, k2 = jax.random.split(key, 3)
    B, N0, N1 = 16, 2048, 2048
    scale = jnp.array([IMG_W, IMG_H], dtype=jnp.float32)
    kpts0 = jax.random.uniform(k0, (B, N0, 2), dtype=jnp.float32) * scale
    kpts1 = jax.random.uniform(k1, (B, N1, 2), dtype=jnp.float32) * scale
    # near-identity homographies so a reasonable fraction of keypoints match
    transformation = jnp.eye(3, dtype=jnp.float32)[None, :, :] + 0.001 * jax.random.normal(k2, (B, 3, 3), dtype=jnp.float32)
    return {"kpts0": kpts0, "kpts1": kpts1, "transformation": transformation}


def _reproject_keypoints(kpts, H):
    # kpts: [B, N, 2]; H: [B, 3, 3] homography
    ones = jnp.ones(kpts.shape[:-1] + (1,), dtype=kpts.dtype)
    homo = jnp.concatenate([kpts, ones], axis=-1)          # [B, N, 3]
    proj = jnp.einsum('bij,bnj->bni', H, homo)             # [B, N, 3]
    z = proj[..., 2]
    zs = jnp.where(jnp.abs(z) > 1e-8, z, 1e-8)
    xy = proj[..., :2] / zs[..., None]
    mask = (z > 1e-8) & (xy[..., 0] >= 0.0) & (xy[..., 0] < IMG_W) & (xy[..., 1] >= 0.0) & (xy[..., 1] < IMG_H)
    return xy, mask


def _cdist(a, b):
    # a: [B, N, d], b: [B, M, d] -> [B, N, M] euclidean distances
    aa = jnp.sum(a * a, axis=-1)[:, :, None]
    bb = jnp.sum(b * b, axis=-1)[:, None, :]
    ab = jnp.einsum('bnd,bmd->bnm', a, b)
    d2 = jnp.maximum(aa + bb - 2.0 * ab, 1e-12)
    return jnp.sqrt(d2)


def reference(kpts0, kpts1, transformation):
    B, num0, _ = kpts0.shape
    num1 = kpts1.shape[1]
    transformation_inv = jnp.linalg.inv(transformation)

    kpts0_t, mask0 = _reproject_keypoints(kpts0, transformation)
    kpts1_t, mask1 = _reproject_keypoints(kpts1, transformation_inv)

    err01 = _cdist(kpts0_t, kpts1)   # [B, num0, num1]
    err10 = _cdist(kpts1_t, kpts0)   # [B, num1, num0]

    min_dist0 = jnp.min(err01, axis=2)
    gt_matches0 = jnp.argmin(err01, axis=2).astype(jnp.int32)
    min_dist1 = jnp.min(err10, axis=2)
    gt_matches1 = jnp.argmin(err10, axis=2).astype(jnp.int32)

    # cross-check: gt_matches1[gt_matches0] must equal arange(num0)
    back = jnp.take_along_axis(gt_matches1, gt_matches0, axis=1)   # [B, num0]
    cross_inconsistent = jnp.arange(num0, dtype=jnp.int32)[None, :] != back

    gm0 = jnp.where(cross_inconsistent, UNMATCHED, gt_matches0)
    gm0 = jnp.where(~mask0, IGNORE, gm0)
    gm0 = jnp.where(min_dist0 > GT_POS_THR, IGNORE, gm0)
    gm0 = jnp.where(min_dist0 > GT_NEG_THR, UNMATCHED, gm0)

    gm1 = jnp.full((B, num1), IGNORE, dtype=jnp.int32)
    gm1 = jnp.where(min_dist1 > GT_NEG_THR, UNMATCHED, gm1)

    # scatter: for valid matches, gt_matches1[b, gm0[b, i]] = i
    valid = gm0 >= 0
    batch_idx = jnp.broadcast_to(jnp.arange(B, dtype=jnp.int32)[:, None], (B, num0))
    kpts1_idx = jnp.where(valid, gm0, num1)  # out-of-range -> dropped
    kpts0_idx = jnp.broadcast_to(jnp.arange(num0, dtype=jnp.int32)[None, :], (B, num0))
    gm1 = gm1.at[batch_idx, kpts1_idx].set(kpts0_idx, mode='drop')

    return (gm0, gm1, min_dist0, min_dist1, kpts0, kpts1)

if __name__ == "__main__":
    import jax
    _d = setup_inputs()
    print(jax.jit(kernel)(*tuple(_d.values())))

</pallas_src>

<mosaic_0001>
#map = affine_map<(d0, d1) -> (0, 0)>
module attributes {stable_mosaic.version = 14 : i64} {
  func.func @_epilogue_body(%arg0: i32, %arg1: i32, %arg2: memref<32x2048xi32, #tpu.memory_space<hbm>>, %arg3: memref<32x2048xf32, #tpu.memory_space<hbm>>, %arg4: memref<16x2048xi32, #tpu.memory_space<hbm>>, %arg5: memref<16x2048xi32, #tpu.memory_space<hbm>>, %arg6: memref<16x2048xi32, #tpu.memory_space<hbm>>, %arg7: memref<16x2048xf32, #tpu.memory_space<hbm>>, %arg8: memref<16x2048xf32, #tpu.memory_space<hbm>>, %arg9: memref<2048xi32, #tpu.memory_space<vmem>>, %arg10: memref<2048xi32, #tpu.memory_space<vmem>>, %arg11: memref<2048xf32, #tpu.memory_space<vmem>>, %arg12: memref<2048xf32, #tpu.memory_space<vmem>>, %arg13: memref<2048xi32, #tpu.memory_space<vmem>>, %arg14: memref<2048xi32, #tpu.memory_space<vmem>>, %arg15: memref<2048xi32, #tpu.memory_space<vmem>>) attributes {dimension_semantics = [#tpu.dimension_semantics<core_parallel>, #tpu.dimension_semantics<subcore_parallel>], iteration_bounds = array<i64: 2, 16>, scalar_prefetch = 0 : i64, scratch_operands = 7 : i64, tpu.core_type = #tpu.core_type<sc_vector_subcore>, window_params = [{transform_indices = #map}, {transform_indices = #map}, {transform_indices = #map}, {transform_indices = #map}, {transform_indices = #map}, {transform_indices = #map}, {transform_indices = #map}]} {
    %mul3A = arith.constant 2 : i32
    %mul3A_0 = arith.muli %arg1, %mul3A : i32
    %add3A = arith.addi %mul3A_0, %arg0 : i32
    %lt3A = arith.constant 16 : i32
    %lt3A_1 = arith.cmpi slt, %add3A, %lt3A : i32
    %convert_element_type3A = arith.extui %lt3A_1 : i1 to i32
    %cond3A = arith.constant 0 : i32
    %cond3A_2 = arith.cmpi ne, %convert_element_type3A, %cond3A : i32
    scf.if %cond3A_2 {
      "tpu.region"() ({
        %run_scoped3A = tpu.sem_alloc : memref<!tpu.dma_semaphore, #tpu.memory_space<semaphore_mem>>
        %dma_start3A = arith.constant 0 : i32
        %dma_start3A_18 = tpu.memref_slice %arg2[%add3A, %dma_start3A] : memref<32x2048xi32, #tpu.memory_space<hbm>> -> memref<1x2048xi32, #tpu.memory_space<hbm>>
        %dma_start3A_19 = tpu.memref_squeeze %dma_start3A_18 : memref<1x2048xi32, #tpu.memory_space<hbm>> -> memref<2048xi32, #tpu.memory_space<hbm>>
        %dma_start3A_20 = arith.constant 0 : i32
        %dma_start3A_21 = tpu.memref_slice %arg2[%add3A, %dma_start3A_20] : memref<32x2048xi32, #tpu.memory_space<hbm>> -> memref<1x2048xi32, #tpu.memory_space<hbm>>
        %dma_start3A_22 = tpu.memref_squeeze %dma_start3A_21 : memref<1x2048xi32, #tpu.memory_space<hbm>> -> memref<2048xi32, #tpu.memory_space<hbm>>
        tpu.enqueue_dma source(%dma_start3A_22 : memref<2048xi32, #tpu.memory_space<hbm>>) target(%arg9 : memref<2048xi32, #tpu.memory_space<vmem>>) target_semaphore(%run_scoped3A : memref<!tpu.dma_semaphore, #tpu.memory_space<semaphore_mem>>)
        %dma_wait3A = arith.constant 0 : i32
        %dma_wait3A_23 = tpu.memref_slice %arg2[%add3A, %dma_wait3A] : memref<32x2048xi32, #tpu.memory_space<hbm>> -> memref<1x2048xi32, #tpu.memory_space<hbm>>
        %dma_wait3A_24 = tpu.memref_squeeze %dma_wait3A_23 : memref<1x2048xi32, #tpu.memory_space<hbm>> -> memref<2048xi32, #tpu.memory_space<hbm>>
        %dma_wait3A_25 = arith.constant 0 : i32
        %dma_wait3A_26 = tpu.memref_slice %arg2[%add3A, %dma_wait3A_25] : memref<32x2048xi32, #tpu.memory_space<hbm>> -> memref<1x2048xi32, #tpu.memory_space<hbm>>
        %dma_wait3A_27 = tpu.memref_squeeze %dma_wait3A_26 : memref<1x2048xi32, #tpu.memory_space<hbm>> -> memref<2048xi32, #tpu.memory_space<hbm>>
        tpu.wait_dma2 semaphore(%run_scoped3A : memref<!tpu.dma_semaphore, #tpu.memory_space<semaphore_mem>>) src(%dma_wait3A_27 : memref<2048xi32, #tpu.memory_space<hbm>>) dst(%arg9 : memref<2048xi32, #tpu.memory_space<vmem>>)
        tpu.yield
      }) : () -> ()
      %add3A_3 = arith.constant 16 : i32
      %add3A_4 = arith.addi %add3A_3, %add3A : i32
      "tpu.region"() ({
        %run_scoped3A = tpu.sem_alloc : memref<!tpu.dma_semaphore, #tpu.memory_space<semaphore_mem>>
        %dma_start3A = arith.constant 0 : i32
        %dma_start3A_18 = tpu.memref_slice %arg2[%add3A_4, %dma_start3A] : memref<32x2048xi32, #tpu.memory_space<hbm>> -> memref<1x2048xi32, #tpu.memory_space<hbm>>
        %dma_start3A_19 = tpu.memref_squeeze %dma_start3A_18 : memref<1x2048xi32, #tpu.memory_space<hbm>> -> memref<2048xi32, #tpu.memory_space<hbm>>
        %dma_start3A_20 = arith.constant 0 : i32
        %dma_start3A_21 = tpu.memref_slice %arg2[%add3A_4, %dma_start3A_20] : memref<32x2048xi32, #tpu.memory_space<hbm>> -> memref<1x2048xi32, #tpu.memory_space<hbm>>
        %dma_start3A_22 = tpu.memref_squeeze %dma_start3A_21 : memref<1x2048xi32, #tpu.memory_space<hbm>> -> memref<2048xi32, #tpu.memory_space<hbm>>
        tpu.enqueue_dma source(%dma_start3A_22 : memref<2048xi32, #tpu.memory_space<hbm>>) target(%arg10 : memref<2048xi32, #tpu.memory_space<vmem>>) target_semaphore(%run_scoped3A : memref<!tpu.dma_semaphore, #tpu.memory_space<semaphore_mem>>)
        %dma_wait3A = arith.constant 0 : i32
        %dma_wait3A_23 = tpu.memref_slice %arg2[%add3A_4, %dma_wait3A] : memref<32x2048xi32, #tpu.memory_space<hbm>> -> memref<1x2048xi32, #tpu.memory_space<hbm>>
        %dma_wait3A_24 = tpu.memref_squeeze %dma_wait3A_23 : memref<1x2048xi32, #tpu.memory_space<hbm>> -> memref<2048xi32, #tpu.memory_space<hbm>>
        %dma_wait3A_25 = arith.constant 0 : i32
        %dma_wait3A_26 = tpu.memref_slice %arg2[%add3A_4, %dma_wait3A_25] : memref<32x2048xi32, #tpu.memory_space<hbm>> -> memref<1x2048xi32, #tpu.memory_space<hbm>>
        %dma_wait3A_27 = tpu.memref_squeeze %dma_wait3A_26 : memref<1x2048xi32, #tpu.memory_space<hbm>> -> memref<2048xi32, #tpu.memory_space<hbm>>
        tpu.wait_dma2 semaphore(%run_scoped3A : memref<!tpu.dma_semaphore, #tpu.memory_space<semaphore_mem>>) src(%dma_wait3A_27 : memref<2048xi32, #tpu.memory_space<hbm>>) dst(%arg10 : memref<2048xi32, #tpu.memory_space<vmem>>)
        tpu.yield
      }) : () -> ()
      "tpu.region"() ({
        %run_scoped3A = tpu.sem_alloc : memref<!tpu.dma_semaphore, #tpu.memory_space<semaphore_mem>>
        %dma_start3A = arith.constant 0 : i32
        %dma_start3A_18 = tpu.memref_slice %arg3[%add3A, %dma_start3A] : memref<32x2048xf32, #tpu.memory_space<hbm>> -> memref<1x2048xf32, #tpu.memory_space<hbm>>
        %dma_start3A_19 = tpu.memref_squeeze %dma_start3A_18 : memref<1x2048xf32, #tpu.memory_space<hbm>> -> memref<2048xf32, #tpu.memory_space<hbm>>
        %dma_start3A_20 = arith.constant 0 : i32
        %dma_start3A_21 = tpu.memref_slice %arg3[%add3A, %dma_start3A_20] : memref<32x2048xf32, #tpu.memory_space<hbm>> -> memref<1x2048xf32, #tpu.memory_space<hbm>>
        %dma_start3A_22 = tpu.memref_squeeze %dma_start3A_21 : memref<1x2048xf32, #tpu.memory_space<hbm>> -> memref<2048xf32, #tpu.memory_space<hbm>>
        tpu.enqueue_dma source(%dma_start3A_22 : memref<2048xf32, #tpu.memory_space<hbm>>) target(%arg11 : memref<2048xf32, #tpu.memory_space<vmem>>) target_semaphore(%run_scoped3A : memref<!tpu.dma_semaphore, #tpu.memory_space<semaphore_mem>>)
        %dma_wait3A = arith.constant 0 : i32
        %dma_wait3A_23 = tpu.memref_slice %arg3[%add3A, %dma_wait3A] : memref<32x2048xf32, #tpu.memory_space<hbm>> -> memref<1x2048xf32, #tpu.memory_space<hbm>>
        %dma_wait3A_24 = tpu.memref_squeeze %dma_wait3A_23 : memref<1x2048xf32, #tpu.memory_space<hbm>> -> memref<2048xf32, #tpu.memory_space<hbm>>
        %dma_wait3A_25 = arith.constant 0 : i32
        %dma_wait3A_26 = tpu.memref_slice %arg3[%add3A, %dma_wait3A_25] : memref<32x2048xf32, #tpu.memory_space<hbm>> -> memref<1x2048xf32, #tpu.memory_space<hbm>>
        %dma_wait3A_27 = tpu.memref_squeeze %dma_wait3A_26 : memref<1x2048xf32, #tpu.memory_space<hbm>> -> memref<2048xf32, #tpu.memory_space<hbm>>
        tpu.wait_dma2 semaphore(%run_scoped3A : memref<!tpu.dma_semaphore, #tpu.memory_space<semaphore_mem>>) src(%dma_wait3A_27 : memref<2048xf32, #tpu.memory_space<hbm>>) dst(%arg11 : memref<2048xf32, #tpu.memory_space<vmem>>)
        tpu.yield
      }) : () -> ()
      %add3A_5 = arith.constant 16 : i32
      %add3A_6 = arith.addi %add3A_5, %add3A : i32
      "tpu.region"() ({
        %run_scoped3A = tpu.sem_alloc : memref<!tpu.dma_semaphore, #tpu.memory_space<semaphore_mem>>
        %dma_start3A = arith.constant 0 : i32
        %dma_start3A_18 = tpu.memref_slice %arg3[%add3A_6, %dma_start3A] : memref<32x2048xf32, #tpu.memory_space<hbm>> -> memref<1x2048xf32, #tpu.memory_space<hbm>>
        %dma_start3A_19 = tpu.memref_squeeze %dma_start3A_18 : memref<1x2048xf32, #tpu.memory_space<hbm>> -> memref<2048xf32, #tpu.memory_space<hbm>>
        %dma_start3A_20 = arith.constant 0 : i32
        %dma_start3A_21 = tpu.memref_slice %arg3[%add3A_6, %dma_start3A_20] : memref<32x2048xf32, #tpu.memory_space<hbm>> -> memref<1x2048xf32, #tpu.memory_space<hbm>>
        %dma_start3A_22 = tpu.memref_squeeze %dma_start3A_21 : memref<1x2048xf32, #tpu.memory_space<hbm>> -> memref<2048xf32, #tpu.memory_space<hbm>>
        tpu.enqueue_dma source(%dma_start3A_22 : memref<2048xf32, #tpu.memory_space<hbm>>) target(%arg12 : memref<2048xf32, #tpu.memory_space<vmem>>) target_semaphore(%run_scoped3A : memref<!tpu.dma_semaphore, #tpu.memory_space<semaphore_mem>>)
        %dma_wait3A = arith.constant 0 : i32
        %dma_wait3A_23 = tpu.memref_slice %arg3[%add3A_6, %dma_wait3A] : memref<32x2048xf32, #tpu.memory_space<hbm>> -> memref<1x2048xf32, #tpu.memory_space<hbm>>
        %dma_wait3A_24 = tpu.memref_squeeze %dma_wait3A_23 : memref<1x2048xf32, #tpu.memory_space<hbm>> -> memref<2048xf32, #tpu.memory_space<hbm>>
        %dma_wait3A_25 = arith.constant 0 : i32
        %dma_wait3A_26 = tpu.memref_slice %arg3[%add3A_6, %dma_wait3A_25] : memref<32x2048xf32, #tpu.memory_space<hbm>> -> memref<1x2048xf32, #tpu.memory_space<hbm>>
        %dma_wait3A_27 = tpu.memref_squeeze %dma_wait3A_26 : memref<1x2048xf32, #tpu.memory_space<hbm>> -> memref<2048xf32, #tpu.memory_space<hbm>>
        tpu.wait_dma2 semaphore(%run_scoped3A : memref<!tpu.dma_semaphore, #tpu.memory_space<semaphore_mem>>) src(%dma_wait3A_27 : memref<2048xf32, #tpu.memory_space<hbm>>) dst(%arg12 : memref<2048xf32, #tpu.memory_space<vmem>>)
        tpu.yield
      }) : () -> ()
      "tpu.region"() ({
        %run_scoped3A = tpu.sem_alloc : memref<!tpu.dma_semaphore, #tpu.memory_space<semaphore_mem>>
        %dma_start3A = arith.constant 0 : i32
        %dma_start3A_18 = tpu.memref_slice %arg4[%add3A, %dma_start3A] : memref<16x2048xi32, #tpu.memory_space<hbm>> -> memref<1x2048xi32, #tpu.memory_space<hbm>>
        %dma_start3A_19 = tpu.memref_squeeze %dma_start3A_18 : memref<1x2048xi32, #tpu.memory_space<hbm>> -> memref<2048xi32, #tpu.memory_space<hbm>>
        %dma_start3A_20 = arith.constant 0 : i32
        %dma_start3A_21 = tpu.memref_slice %arg4[%add3A, %dma_start3A_20] : memref<16x2048xi32, #tpu.memory_space<hbm>> -> memref<1x2048xi32, #tpu.memory_space<hbm>>
        %dma_start3A_22 = tpu.memref_squeeze %dma_start3A_21 : memref<1x2048xi32, #tpu.memory_space<hbm>> -> memref<2048xi32, #tpu.memory_space<hbm>>
        tpu.enqueue_dma source(%dma_start3A_22 : memref<2048xi32, #tpu.memory_space<hbm>>) target(%arg13 : memref<2048xi32, #tpu.memory_space<vmem>>) target_semaphore(%run_scoped3A : memref<!tpu.dma_semaphore, #tpu.memory_space<semaphore_mem>>)
        %dma_wait3A = arith.constant 0 : i32
        %dma_wait3A_23 = tpu.memref_slice %arg4[%add3A, %dma_wait3A] : memref<16x2048xi32, #tpu.memory_space<hbm>> -> memref<1x2048xi32, #tpu.memory_space<hbm>>
        %dma_wait3A_24 = tpu.memref_squeeze %dma_wait3A_23 : memref<1x2048xi32, #tpu.memory_space<hbm>> -> memref<2048xi32, #tpu.memory_space<hbm>>
        %dma_wait3A_25 = arith.constant 0 : i32
        %dma_wait3A_26 = tpu.memref_slice %arg4[%add3A, %dma_wait3A_25] : memref<16x2048xi32, #tpu.memory_space<hbm>> -> memref<1x2048xi32, #tpu.memory_space<hbm>>
        %dma_wait3A_27 = tpu.memref_squeeze %dma_wait3A_26 : memref<1x2048xi32, #tpu.memory_space<hbm>> -> memref<2048xi32, #tpu.memory_space<hbm>>
        tpu.wait_dma2 semaphore(%run_scoped3A : memref<!tpu.dma_semaphore, #tpu.memory_space<semaphore_mem>>) src(%dma_wait3A_27 : memref<2048xi32, #tpu.memory_space<hbm>>) dst(%arg13 : memref<2048xi32, #tpu.memory_space<vmem>>)
        tpu.yield
      }) : () -> ()
      %iota3A = tpu.iota {dimensions = array<i32: 0>} : vector<16xi32>
      %scan3A = arith.constant 0 : i32
      %scan3A_7 = arith.constant 0 : i32
      %scan3A_8 = arith.constant 128 : i32
      %scan3A_9 = arith.addi %scan3A_7, %scan3A_8 : i32
      %scan3A_10 = arith.constant 1 : i32
      scf.for %scan3A_18 = %scan3A_7 to %scan3A_9 step %scan3A_10  : i32 {
        %mul3A_19 = arith.constant 16 : i32
        %mul3A_20 = arith.muli %scan3A_18, %mul3A_19 : i32
        %get3A = arith.index_cast %mul3A_20 : i32 to index
        %get3A_21 = tpu.vector_load %arg9[%get3A] {strides = array<i32>} : memref<2048xi32, #tpu.memory_space<vmem>>, vector<16xi32>,
        %gather3A = tpu.vector_load_idx %arg10[%get3A_21] : memref<2048xi32, #tpu.memory_space<vmem>>[vector<16xi32>], vector<16xi32>,
        %mul3A_22 = arith.constant 16 : i32
        %mul3A_23 = arith.muli %scan3A_18, %mul3A_22 : i32
        %add3A_24 = vector.broadcast %mul3A_23 : i32 to vector<16xi32>
        %add3A_25 = arith.addi %iota3A, %add3A_24 : vector<16xi32>
        %get3A_26 = arith.index_cast %mul3A_20 : i32 to index
        %get3A_27 = tpu.vector_load %arg11[%get3A_26] {strides = array<i32>} : memref<2048xf32, #tpu.memory_space<vmem>>, vector<16xf32>,
        %get3A_28 = arith.index_cast %mul3A_20 : i32 to index
        %get3A_29 = tpu.vector_load %arg13[%get3A_28] {strides = array<i32>} : memref<2048xi32, #tpu.memory_space<vmem>>, vector<16xi32>,
        %eq3A = arith.cmpi eq, %gather3A, %add3A_25 : vector<16xi32>
        %jit3A = arith.constant -1 : i32
        %broadcast_in_dim3A = vector.broadcast %jit3A : i32 to vector<16xi32>
        %select_n3A = arith.select %eq3A, %get3A_21, %broadcast_in_dim3A : vector<16xi1>, vector<16xi32>
        %eq3A_30 = arith.constant 0 : i32
        %eq3A_31 = vector.broadcast %eq3A_30 : i32 to vector<16xi32>
        %eq3A_32 = arith.cmpi eq, %get3A_29, %eq3A_31 : vector<16xi32>
        %jit3A_33 = arith.constant -2 : i32
        %broadcast_in_dim3A_34 = vector.broadcast %jit3A_33 : i32 to vector<16xi32>
        %select_n3A_35 = arith.select %eq3A_32, %broadcast_in_dim3A_34, %select_n3A : vector<16xi1>, vector<16xi32>
        %gt3A = arith.constant 3.000000e+00 : f32
        %gt3A_36 = vector.broadcast %gt3A : f32 to vector<16xf32>
        %gt3A_37 = arith.cmpf ogt, %get3A_27, %gt3A_36 : vector<16xf32>
        %jit3A_38 = arith.constant -2 : i32
        %broadcast_in_dim3A_39 = vector.broadcast %jit3A_38 : i32 to vector<16xi32>
        %select_n3A_40 = arith.select %gt3A_37, %broadcast_in_dim3A_39, %select_n3A_35 : vector<16xi1>, vector<16xi32>
        %gt3A_41 = arith.constant 5.000000e+00 : f32
        %gt3A_42 = vector.broadcast %gt3A_41 : f32 to vector<16xf32>
        %gt3A_43 = arith.cmpf ogt, %get3A_27, %gt3A_42 : vector<16xf32>
        %jit3A_44 = arith.constant -1 : i32
        %broadcast_in_dim3A_45 = vector.broadcast %jit3A_44 : i32 to vector<16xi32>
        %select_n3A_46 = arith.select %gt3A_43, %broadcast_in_dim3A_45, %select_n3A_40 : vector<16xi1>, vector<16xi32>
        %swap3A = arith.index_cast %mul3A_20 : i32 to index
        %swap3A_47 = tpu.vector_load %arg14[%swap3A] {strides = array<i32>} : memref<2048xi32, #tpu.memory_space<vmem>>, vector<16xi32>,
        tpu.vector_store %arg14[%swap3A], %select_n3A_46 {strides = array<i32>} : memref<2048xi32, #tpu.memory_space<vmem>>, vector<16xi32>,
      }
      %scan3A_11 = arith.constant 128 : i32
      %scan3A_12 = arith.constant 0 : i32
      %scan3A_13 = arith.constant 0 : i32
      %scan3A_14 = arith.constant 128 : i32
      %scan3A_15 = arith.addi %scan3A_13, %scan3A_14 : i32
      %scan3A_16 = arith.constant 1 : i32
      scf.for %scan3A_18 = %scan3A_13 to %scan3A_15 step %scan3A_16  : i32 {
        %mul3A_19 = arith.constant 16 : i32
        %mul3A_20 = arith.muli %scan3A_18, %mul3A_19 : i32
        %get3A = arith.index_cast %mul3A_20 : i32 to index
        %get3A_21 = tpu.vector_load %arg10[%get3A] {strides = array<i32>} : memref<2048xi32, #tpu.memory_space<vmem>>, vector<16xi32>,
        %gather3A = tpu.vector_load_idx %arg14[%get3A_21] : memref<2048xi32, #tpu.memory_space<vmem>>[vector<16xi32>], vector<16xi32>,
        %mul3A_22 = arith.constant 16 : i32
        %mul3A_23 = arith.muli %scan3A_18, %mul3A_22 : i32
        %add3A_24 = vector.broadcast %mul3A_23 : i32 to vector<16xi32>
        %add3A_25 = arith.addi %iota3A, %add3A_24 : vector<16xi32>
        %get3A_26 = arith.index_cast %mul3A_20 : i32 to index
        %get3A_27 = tpu.vector_load %arg12[%get3A_26] {strides = array<i32>} : memref<2048xf32, #tpu.memory_space<vmem>>, vector<16xf32>,
        %gt3A = arith.constant 5.000000e+00 : f32
        %gt3A_28 = vector.broadcast %gt3A : f32 to vector<16xf32>
        %gt3A_29 = arith.cmpf ogt, %get3A_27, %gt3A_28 : vector<16xf32>
        %jit3A = arith.constant -1 : i32
        %jit3A_30 = arith.constant -2 : i32
        %broadcast_in_dim3A = vector.broadcast %jit3A : i32 to vector<16xi32>
        %broadcast_in_dim3A_31 = vector.broadcast %jit3A_30 : i32 to vector<16xi32>
        %select_n3A = arith.select %gt3A_29, %broadcast_in_dim3A, %broadcast_in_dim3A_31 : vector<16xi1>, vector<16xi32>
        %eq3A = arith.cmpi eq, %gather3A, %add3A_25 : vector<16xi32>
        %select_n3A_32 = arith.select %eq3A, %get3A_21, %select_n3A : vector<16xi1>, vector<16xi32>
        %swap3A = arith.index_cast %mul3A_20 : i32 to index
        %swap3A_33 = tpu.vector_load %arg15[%swap3A] {strides = array<i32>} : memref<2048xi32, #tpu.memory_space<vmem>>, vector<16xi32>,
        tpu.vector_store %arg15[%swap3A], %select_n3A_32 {strides = array<i32>} : memref<2048xi32, #tpu.memory_space<vmem>>, vector<16xi32>,
      }
      %scan3A_17 = arith.constant 128 : i32
      "tpu.region"() ({
        %run_scoped3A = tpu.sem_alloc : memref<!tpu.dma_semaphore, #tpu.memory_space<semaphore_mem>>
        %dma_start3A = arith.constant 0 : i32
        %dma_start3A_18 = tpu.memref_slice %arg5[%add3A, %dma_start3A] : memref<16x2048xi32, #tpu.memory_space<hbm>> -> memref<1x2048xi32, #tpu.memory_space<hbm>>
        %dma_start3A_19 = tpu.memref_squeeze %dma_start3A_18 : memref<1x2048xi32, #tpu.memory_space<hbm>> -> memref<2048xi32, #tpu.memory_space<hbm>>
        %dma_start3A_20 = arith.constant 0 : i32
        %dma_start3A_21 = tpu.memref_slice %arg5[%add3A, %dma_start3A_20] : memref<16x2048xi32, #tpu.memory_space<hbm>> -> memref<1x2048xi32, #tpu.memory_space<hbm>>
        %dma_start3A_22 = tpu.memref_squeeze %dma_start3A_21 : memref<1x2048xi32, #tpu.memory_space<hbm>> -> memref<2048xi32, #tpu.memory_space<hbm>>
        tpu.enqueue_dma source(%arg14 : memref<2048xi32, #tpu.memory_space<vmem>>) target(%dma_start3A_22 : memref<2048xi32, #tpu.memory_space<hbm>>) target_semaphore(%run_scoped3A : memref<!tpu.dma_semaphore, #tpu.memory_space<semaphore_mem>>)
        %dma_wait3A = arith.constant 0 : i32
        %dma_wait3A_23 = tpu.memref_slice %arg5[%add3A, %dma_wait3A] : memref<16x2048xi32, #tpu.memory_space<hbm>> -> memref<1x2048xi32, #tpu.memory_space<hbm>>
        %dma_wait3A_24 = tpu.memref_squeeze %dma_wait3A_23 : memref<1x2048xi32, #tpu.memory_space<hbm>> -> memref<2048xi32, #tpu.memory_space<hbm>>
        %dma_wait3A_25 = arith.constant 0 : i32
        %dma_wait3A_26 = tpu.memref_slice %arg5[%add3A, %dma_wait3A_25] : memref<16x2048xi32, #tpu.memory_space<hbm>> -> memref<1x2048xi32, #tpu.memory_space<hbm>>
        %dma_wait3A_27 = tpu.memref_squeeze %dma_wait3A_26 : memref<1x2048xi32, #tpu.memory_space<hbm>> -> memref<2048xi32, #tpu.memory_space<hbm>>
        tpu.wait_dma2 semaphore(%run_scoped3A : memref<!tpu.dma_semaphore, #tpu.memory_space<semaphore_mem>>) src(%arg14 : memref<2048xi32, #tpu.memory_space<vmem>>) dst(%dma_wait3A_27 : memref<2048xi32, #tpu.memory_space<hbm>>)
        tpu.yield
      }) : () -> ()
      "tpu.region"() ({
        %run_scoped3A = tpu.sem_alloc : memref<!tpu.dma_semaphore, #tpu.memory_space<semaphore_mem>>
        %dma_start3A = arith.constant 0 : i32
        %dma_start3A_18 = tpu.memref_slice %arg6[%add3A, %dma_start3A] : memref<16x2048xi32, #tpu.memory_space<hbm>> -> memref<1x2048xi32, #tpu.memory_space<hbm>>
        %dma_start3A_19 = tpu.memref_squeeze %dma_start3A_18 : memref<1x2048xi32, #tpu.memory_space<hbm>> -> memref<2048xi32, #tpu.memory_space<hbm>>
        %dma_start3A_20 = arith.constant 0 : i32
        %dma_start3A_21 = tpu.memref_slice %arg6[%add3A, %dma_start3A_20] : memref<16x2048xi32, #tpu.memory_space<hbm>> -> memref<1x2048xi32, #tpu.memory_space<hbm>>
        %dma_start3A_22 = tpu.memref_squeeze %dma_start3A_21 : memref<1x2048xi32, #tpu.memory_space<hbm>> -> memref<2048xi32, #tpu.memory_space<hbm>>
        tpu.enqueue_dma source(%arg15 : memref<2048xi32, #tpu.memory_space<vmem>>) target(%dma_start3A_22 : memref<2048xi32, #tpu.memory_space<hbm>>) target_semaphore(%run_scoped3A : memref<!tpu.dma_semaphore, #tpu.memory_space<semaphore_mem>>)
        %dma_wait3A = arith.constant 0 : i32
        %dma_wait3A_23 = tpu.memref_slice %arg6[%add3A, %dma_wait3A] : memref<16x2048xi32, #tpu.memory_space<hbm>> -> memref<1x2048xi32, #tpu.memory_space<hbm>>
        %dma_wait3A_24 = tpu.memref_squeeze %dma_wait3A_23 : memref<1x2048xi32, #tpu.memory_space<hbm>> -> memref<2048xi32, #tpu.memory_space<hbm>>
        %dma_wait3A_25 = arith.constant 0 : i32
        %dma_wait3A_26 = tpu.memref_slice %arg6[%add3A, %dma_wait3A_25] : memref<16x2048xi32, #tpu.memory_space<hbm>> -> memref<1x2048xi32, #tpu.memory_space<hbm>>
        %dma_wait3A_27 = tpu.memref_squeeze %dma_wait3A_26 : memref<1x2048xi32, #tpu.memory_space<hbm>> -> memref<2048xi32, #tpu.memory_space<hbm>>
        tpu.wait_dma2 semaphore(%run_scoped3A : memref<!tpu.dma_semaphore, #tpu.memory_space<semaphore_mem>>) src(%arg15 : memref<2048xi32, #tpu.memory_space<vmem>>) dst(%dma_wait3A_27 : memref<2048xi32, #tpu.memory_space<hbm>>)
        tpu.yield
      }) : () -> ()
      "tpu.region"() ({
        %run_scoped3A = tpu.sem_alloc : memref<!tpu.dma_semaphore, #tpu.memory_space<semaphore_mem>>
        %dma_start3A = arith.constant 0 : i32
        %dma_start3A_18 = tpu.memref_slice %arg7[%add3A, %dma_start3A] : memref<16x2048xf32, #tpu.memory_space<hbm>> -> memref<1x2048xf32, #tpu.memory_space<hbm>>
        %dma_start3A_19 = tpu.memref_squeeze %dma_start3A_18 : memref<1x2048xf32, #tpu.memory_space<hbm>> -> memref<2048xf32, #tpu.memory_space<hbm>>
        %dma_start3A_20 = arith.constant 0 : i32
        %dma_start3A_21 = tpu.memref_slice %arg7[%add3A, %dma_start3A_20] : memref<16x2048xf32, #tpu.memory_space<hbm>> -> memref<1x2048xf32, #tpu.memory_space<hbm>>
        %dma_start3A_22 = tpu.memref_squeeze %dma_start3A_21 : memref<1x2048xf32, #tpu.memory_space<hbm>> -> memref<2048xf32, #tpu.memory_space<hbm>>
        tpu.enqueue_dma source(%arg11 : memref<2048xf32, #tpu.memory_space<vmem>>) target(%dma_start3A_22 : memref<2048xf32, #tpu.memory_space<hbm>>) target_semaphore(%run_scoped3A : memref<!tpu.dma_semaphore, #tpu.memory_space<semaphore_mem>>)
        %dma_wait3A = arith.constant 0 : i32
        %dma_wait3A_23 = tpu.memref_slice %arg7[%add3A, %dma_wait3A] : memref<16x2048xf32, #tpu.memory_space<hbm>> -> memref<1x2048xf32, #tpu.memory_space<hbm>>
        %dma_wait3A_24 = tpu.memref_squeeze %dma_wait3A_23 : memref<1x2048xf32, #tpu.memory_space<hbm>> -> memref<2048xf32, #tpu.memory_space<hbm>>
        %dma_wait3A_25 = arith.constant 0 : i32
        %dma_wait3A_26 = tpu.memref_slice %arg7[%add3A, %dma_wait3A_25] : memref<16x2048xf32, #tpu.memory_space<hbm>> -> memref<1x2048xf32, #tpu.memory_space<hbm>>
        %dma_wait3A_27 = tpu.memref_squeeze %dma_wait3A_26 : memref<1x2048xf32, #tpu.memory_space<hbm>> -> memref<2048xf32, #tpu.memory_space<hbm>>
        tpu.wait_dma2 semaphore(%run_scoped3A : memref<!tpu.dma_semaphore, #tpu.memory_space<semaphore_mem>>) src(%arg11 : memref<2048xf32, #tpu.memory_space<vmem>>) dst(%dma_wait3A_27 : memref<2048xf32, #tpu.memory_space<hbm>>)
        tpu.yield
      }) : () -> ()
      "tpu.region"() ({
        %run_scoped3A = tpu.sem_alloc : memref<!tpu.dma_semaphore, #tpu.memory_space<semaphore_mem>>
        %dma_start3A = arith.constant 0 : i32
        %dma_start3A_18 = tpu.memref_slice %arg8[%add3A, %dma_start3A] : memref<16x2048xf32, #tpu.memory_space<hbm>> -> memref<1x2048xf32, #tpu.memory_space<hbm>>
        %dma_start3A_19 = tpu.memref_squeeze %dma_start3A_18 : memref<1x2048xf32, #tpu.memory_space<hbm>> -> memref<2048xf32, #tpu.memory_space<hbm>>
        %dma_start3A_20 = arith.constant 0 : i32
        %dma_start3A_21 = tpu.memref_slice %arg8[%add3A, %dma_start3A_20] : memref<16x2048xf32, #tpu.memory_space<hbm>> -> memref<1x2048xf32, #tpu.memory_space<hbm>>
        %dma_start3A_22 = tpu.memref_squeeze %dma_start3A_21 : memref<1x2048xf32, #tpu.memory_space<hbm>> -> memref<2048xf32, #tpu.memory_space<hbm>>
        tpu.enqueue_dma source(%arg12 : memref<2048xf32, #tpu.memory_space<vmem>>) target(%dma_start3A_22 : memref<2048xf32, #tpu.memory_space<hbm>>) target_semaphore(%run_scoped3A : memref<!tpu.dma_semaphore, #tpu.memory_space<semaphore_mem>>)
        %dma_wait3A = arith.constant 0 : i32
        %dma_wait3A_23 = tpu.memref_slice %arg8[%add3A, %dma_wait3A] : memref<16x2048xf32, #tpu.memory_space<hbm>> -> memref<1x2048xf32, #tpu.memory_space<hbm>>
        %dma_wait3A_24 = tpu.memref_squeeze %dma_wait3A_23 : memref<1x2048xf32, #tpu.memory_space<hbm>> -> memref<2048xf32, #tpu.memory_space<hbm>>
        %dma_wait3A_25 = arith.constant 0 : i32
        %dma_wait3A_26 = tpu.memref_slice %arg8[%add3A, %dma_wait3A_25] : memref<16x2048xf32, #tpu.memory_space<hbm>> -> memref<1x2048xf32, #tpu.memory_space<hbm>>
        %dma_wait3A_27 = tpu.memref_squeeze %dma_wait3A_26 : memref<1x2048xf32, #tpu.memory_space<hbm>> -> memref<2048xf32, #tpu.memory_space<hbm>>
        tpu.wait_dma2 semaphore(%run_scoped3A : memref<!tpu.dma_semaphore, #tpu.memory_space<semaphore_mem>>) src(%arg12 : memref<2048xf32, #tpu.memory_space<vmem>>) dst(%dma_wait3A_27 : memref<2048xf32, #tpu.memory_space<hbm>>)
        tpu.yield
      }) : () -> ()
    } else {
    }
    return
  }
}

module attributes {stable_mosaic.version = 14 : i64} {
  func.func @_dist_block_kernel(%arg0: i32, %arg1: i32, %arg2: memref<1x1x2x2048xf32, #tpu.memory_space<vmem>>, %arg3: memref<1x1x2x2048xf32, #tpu.memory_space<vmem>>, %arg4: memref<1x1x1x2048xf32, #tpu.memory_space<vmem>>, %arg5: memref<8x2048xf32, #tpu.memory_space<vmem>>, %arg6: memref<8x2048xi32, #tpu.memory_space<vmem>>) attributes {dimension_semantics = [#tpu.dimension_semantics<arbitrary>, #tpu.dimension_semantics<arbitrary>], iteration_bounds = array<i64: 2, 16>, scalar_prefetch = 0 : i64, scratch_operands = 0 : i64, tpu.core_type = #tpu.core_type<tc>, window_params = [{transform_indices = @transform_0, window_bounds = array<i64: 1, 1, 2, 2048>}, {transform_indices = @transform_1, window_bounds = array<i64: 1, 1, 2, 2048>}, {pipeline_mode = #tpu.pipeline_mode<synchronous>, transform_indices = @transform_2, window_bounds = array<i64: 1, 1, 1, 2048>}, {transform_indices = @transform_3, window_bounds = array<i64: 8, 2048>}, {transform_indices = @transform_4, window_bounds = array<i64: 8, 2048>}]} {
    %get3A = arith.constant 0 : index
    %get3A_0 = arith.constant 0 : index
    %get3A_1 = arith.constant 0 : index
    %get3A_2 = arith.constant 0 : index
    %get3A_3 = vector.load %arg2[%get3A, %get3A_0, %get3A_1, %get3A_2] : memref<1x1x2x2048xf32, #tpu.memory_space<vmem>>, vector<1x1x2x2048xf32>
    %get3A_4 = vector.shape_cast %get3A_3 : vector<1x1x2x2048xf32> to vector<2x2048xf32>
    %get3A_5 = arith.constant 0 : index
    %get3A_6 = arith.constant 0 : index
    %get3A_7 = arith.constant 0 : index
    %get3A_8 = arith.constant 0 : index
    %get3A_9 = vector.load %arg3[%get3A_5, %get3A_6, %get3A_7, %get3A_8] : memref<1x1x2x2048xf32, #tpu.memory_space<vmem>>, vector<1x1x2x2048xf32>
    %get3A_10 = vector.shape_cast %get3A_9 : vector<1x1x2x2048xf32> to vector<2x2048xf32>
    %get3A_11 = arith.constant 0 : index
    %get3A_12 = arith.constant 0 : index
    %get3A_13 = arith.constant 0 : index
    %get3A_14 = arith.constant 0 : index
    %get3A_15 = vector.load %arg4[%get3A_11, %get3A_12, %get3A_13, %get3A_14] : memref<1x1x1x2048xf32, #tpu.memory_space<vmem>>, vector<1x1x1x2048xf32>
    %get3A_16 = vector.shape_cast %get3A_15 : vector<1x1x1x2048xf32> to vector<1x2048xf32>
    %mul3A = arith.mulf %get3A_4, %get3A_4 : vector<2x2048xf32>
    %reduce_sum3A = arith.constant dense<0.000000e+00> : vector<2048xf32>
    %reduce_sum3A_17 = vector.multi_reduction <add>, %mul3A, %reduce_sum3A [0] : vector<2x2048xf32> to vector<2048xf32>
    %broadcast_in_dim3A = vector.shape_cast %reduce_sum3A_17 : vector<2048xf32> to vector<1x2048xf32>
    %transpose3A = tpu.transpose %broadcast_in_dim3A, [1, 0] : vector<1x2048xf32> -> vector<2048x1xf32>
    %mul3A_18 = arith.mulf %get3A_10, %get3A_10 : vector<2x2048xf32>
    %reduce_sum3A_19 = arith.constant dense<0.000000e+00> : vector<2048xf32>
    %reduce_sum3A_20 = vector.multi_reduction <add>, %mul3A_18, %reduce_sum3A_19 [0] : vector<2x2048xf32> to vector<2048xf32>
    %broadcast_in_dim3A_21 = vector.shape_cast %reduce_sum3A_20 : vector<2048xf32> to vector<1x2048xf32>
    %convert_element_type3A = arith.truncf %get3A_4 : vector<2x2048xf32> to vector<2x2048xbf16>
    %mul3A_22 = arith.constant 2.000000e+00 : bf16
    %mul3A_23 = vector.broadcast %mul3A_22 : bf16 to vector<2x2048xbf16>
    %mul3A_24 = arith.mulf %convert_element_type3A, %mul3A_23 : vector<2x2048xbf16>
    %convert_element_type3A_25 = arith.truncf %get3A_10 : vector<2x2048xf32> to vector<2x2048xbf16>
    %dot_general3A = arith.constant dense<0.000000e+00> : vector<2048x2048xf32>
    %dot_general3A_26 = tpu.matmul %mul3A_24, %convert_element_type3A_25, %dot_general3A {dimension_numbers = #tpu.dot_dimension_numbers<[0], [0], [1], [1], [0, 1, 1, 1], [], []>, transpose_lhs_hint = false} : vector<2x2048xbf16>, vector<2x2048xbf16>, vector<2048x2048xf32> -> vector<2048x2048xf32>
    %add3A = vector.broadcast %transpose3A : vector<2048x1xf32> to vector<2048x2048xf32>
    %add3A_27 = vector.broadcast %broadcast_in_dim3A_21 : vector<1x2048xf32> to vector<2048x2048xf32>
    %add3A_28 = arith.addf %add3A, %add3A_27 : vector<2048x2048xf32>
    %sub3A = arith.subf %add3A_28, %dot_general3A_26 : vector<2048x2048xf32>
    %reduce_min3A = arith.constant dense<0x7F800000> : vector<2048xf32>
    %reduce_min3A_29 = vector.multi_reduction <minimumf>, %sub3A, %reduce_min3A [1] : vector<2048x2048xf32> to vector<2048xf32>
    %broadcast_in_dim3A_30 = vector.shape_cast %reduce_min3A_29 : vector<2048xf32> to vector<2048x1xf32>
    %max3A = arith.constant 9.99999996E-13 : f32
    %max3A_31 = vector.broadcast %max3A : f32 to vector<2048x1xf32>
    %max3A_32 = arith.maximumf %broadcast_in_dim3A_30, %max3A_31 : vector<2048x1xf32>
    %le3A = vector.broadcast %max3A_32 : vector<2048x1xf32> to vector<2048x2048xf32>
    %le3A_33 = arith.cmpf ole, %sub3A, %le3A : vector<2048x2048xf32>
    %jit3A = arith.constant 2.048000e+03 : f32
    %broadcast_in_dim3A_34 = vector.shape_cast %get3A_16 : vector<1x2048xf32> to vector<1x2048xf32>
    %broadcast_in_dim3A_35 = vector.broadcast %broadcast_in_dim3A_34 : vector<1x2048xf32> to vector<2048x2048xf32>
    %broadcast_in_dim3A_36 = vector.broadcast %jit3A : f32 to vector<2048x2048xf32>
    %select_n3A = arith.select %le3A_33, %broadcast_in_dim3A_35, %broadcast_in_dim3A_36 : vector<2048x2048xi1>, vector<2048x2048xf32>
    %reduce_min3A_37 = arith.constant dense<0x7F800000> : vector<2048xf32>
    %reduce_min3A_38 = vector.multi_reduction <minimumf>, %select_n3A, %reduce_min3A_37 [1] : vector<2048x2048xf32> to vector<2048xf32>
    %broadcast_in_dim3A_39 = vector.shape_cast %reduce_min3A_38 : vector<2048xf32> to vector<2048x1xf32>
    %rem3A = arith.constant 8 : i32
    %rem3A_40 = arith.remsi %arg1, %rem3A : i32
    %sqrt3A = math.sqrt %max3A_32 : vector<2048x1xf32>
    %transpose3A_41 = tpu.transpose %sqrt3A, [1, 0] : vector<2048x1xf32> -> vector<1x2048xf32>
    %swap3A = arith.index_cast %rem3A_40 : i32 to index
    %swap3A_42 = arith.constant 0 : index
    %swap3A_43 = vector.load %arg5[%swap3A, %swap3A_42] : memref<8x2048xf32, #tpu.memory_space<vmem>>, vector<1x2048xf32>
    tpu.vector_store %arg5[%swap3A, %swap3A_42], %transpose3A_41 {strides = array<i32>} : memref<8x2048xf32, #tpu.memory_space<vmem>>, vector<1x2048xf32>,
    %transpose3A_44 = tpu.transpose %broadcast_in_dim3A_39, [1, 0] : vector<2048x1xf32> -> vector<1x2048xf32>
    %convert_element_type3A_45 = arith.fptosi %transpose3A_44 : vector<1x2048xf32> to vector<1x2048xi32>
    %swap3A_46 = arith.index_cast %rem3A_40 : i32 to index
    %swap3A_47 = arith.constant 0 : index
    %swap3A_48 = vector.load %arg6[%swap3A_46, %swap3A_47] : memref<8x2048xi32, #tpu.memory_space<vmem>>, vector<1x2048xi32>
    tpu.vector_store %arg6[%swap3A_46, %swap3A_47], %convert_element_type3A_45 {strides = array<i32>} : memref<8x2048xi32, #tpu.memory_space<vmem>>, vector<1x2048xi32>,
    return
  }
  func.func @transform_0(%arg0: i32, %arg1: i32) -> (i32, i32, i32, i32) {
    %c0_i32 = arith.constant 0 : i32
    %c0_i32_0 = arith.constant 0 : i32
    %c0_i32_1 = arith.constant 0 : i32
    return %arg0, %arg1, %c0_i32, %c0_i32_0 : i32, i32, i32, i32
  }
  func.func @transform_1(%arg0: i32, %arg1: i32) -> (i32, i32, i32, i32) {
    %c0_i32 = arith.constant 0 : i32
    %c0_i32_0 = arith.constant 0 : i32
    %c0_i32_1 = arith.constant 0 : i32
    return %arg0, %arg1, %c0_i32, %c0_i32_0 : i32, i32, i32, i32
  }
  func.func @transform_2(%arg0: i32, %arg1: i32) -> (i32, i32, i32, i32) {
    %c0_i32 = arith.constant 0 : i32
    %c0_i32_0 = arith.constant 0 : i32
    %c0_i32_1 = arith.constant 0 : i32
    %c0_i32_2 = arith.constant 0 : i32
    %c0_i32_3 = arith.constant 0 : i32
    return %c0_i32, %c0_i32_0, %c0_i32_1, %c0_i32_2 : i32, i32, i32, i32
  }
  func.func @transform_3(%arg0: i32, %arg1: i32) -> (i32, i32) {
    %mul3A = arith.constant 2 : i32
    %mul3A_0 = arith.muli %arg0, %mul3A : i32
    %jit3A = arith.constant 8 : i32
    %div3A = arith.divsi %arg1, %jit3A : i32
    %sign3A = arith.constant 0 : i32
    %sign3A_1 = arith.cmpi sgt, %arg1, %sign3A : i32
    %sign3A_2 = arith.extui %sign3A_1 : i1 to i32
    %sign3A_3 = arith.constant 0 : i32
    %sign3A_4 = arith.cmpi slt, %arg1, %sign3A_3 : i32
    %sign3A_5 = arith.extui %sign3A_4 : i1 to i32
    %sign3A_6 = arith.subi %sign3A_2, %sign3A_5 : i32
    %sign3A_7 = arith.constant 0 : i32
    %sign3A_8 = arith.cmpi sgt, %jit3A, %sign3A_7 : i32
    %sign3A_9 = arith.extui %sign3A_8 : i1 to i32
    %sign3A_10 = arith.constant 0 : i32
    %sign3A_11 = arith.cmpi slt, %jit3A, %sign3A_10 : i32
    %sign3A_12 = arith.extui %sign3A_11 : i1 to i32
    %sign3A_13 = arith.subi %sign3A_9, %sign3A_12 : i32
    %ne3A = arith.cmpi ne, %sign3A_6, %sign3A_13 : i32
    %rem3A = arith.remsi %arg1, %jit3A : i32
    %ne3A_14 = arith.constant 0 : i32
    %ne3A_15 = arith.cmpi ne, %rem3A, %ne3A_14 : i32
    %and3A = arith.andi %ne3A, %ne3A_15 : i1
    %sub3A = arith.constant 1 : i32
    %sub3A_16 = arith.subi %div3A, %sub3A : i32
    %select_n3A = arith.select %and3A, %sub3A_16, %div3A : i32
    %add3A = arith.addi %mul3A_0, %select_n3A : i32
    %c0_i32 = arith.constant 0 : i32
    %c0_i32_17 = arith.constant 0 : i32
    return %add3A, %c0_i32 : i32, i32
  }
  func.func @transform_4(%arg0: i32, %arg1: i32) -> (i32, i32) {
    %mul3A = arith.constant 2 : i32
    %mul3A_0 = arith.muli %arg0, %mul3A : i32
    %jit3A = arith.constant 8 : i32
    %div3A = arith.divsi %arg1, %jit3A : i32
    %sign3A = arith.constant 0 : i32
    %sign3A_1 = arith.cmpi sgt, %arg1, %sign3A : i32
    %sign3A_2 = arith.extui %sign3A_1 : i1 to i32
    %sign3A_3 = arith.constant 0 : i32
    %sign3A_4 = arith.cmpi slt, %arg1, %sign3A_3 : i32
    %sign3A_5 = arith.extui %sign3A_4 : i1 to i32
    %sign3A_6 = arith.subi %sign3A_2, %sign3A_5 : i32
    %sign3A_7 = arith.constant 0 : i32
    %sign3A_8 = arith.cmpi sgt, %jit3A, %sign3A_7 : i32
    %sign3A_9 = arith.extui %sign3A_8 : i1 to i32
    %sign3A_10 = arith.constant 0 : i32
    %sign3A_11 = arith.cmpi slt, %jit3A, %sign3A_10 : i32
    %sign3A_12 = arith.extui %sign3A_11 : i1 to i32
    %sign3A_13 = arith.subi %sign3A_9, %sign3A_12 : i32
    %ne3A = arith.cmpi ne, %sign3A_6, %sign3A_13 : i32
    %rem3A = arith.remsi %arg1, %jit3A : i32
    %ne3A_14 = arith.constant 0 : i32
    %ne3A_15 = arith.cmpi ne, %rem3A, %ne3A_14 : i32
    %and3A = arith.andi %ne3A, %ne3A_15 : i1
    %sub3A = arith.constant 1 : i32
    %sub3A_16 = arith.subi %div3A, %sub3A : i32
    %select_n3A = arith.select %and3A, %sub3A_16, %div3A : i32
    %add3A = arith.addi %mul3A_0, %select_n3A : i32
    %c0_i32 = arith.constant 0 : i32
    %c0_i32_17 = arith.constant 0 : i32
    return %add3A, %c0_i32 : i32, i32
  }
}

</mosaic_0001>

<sc_bundles>
// kernel: kernel.4.cloned.1.call-start
scs
__scs_entry_jumppad:
0x0: {  	(pc) =	sbr.rel $0x88, $3  }
0x1: {  	(tag) =	ssettag $0x0;
	lr =	simm.s32 $0x1  }
0x2: {  	[smem:$0x3F9E] =	sst lr;
	_ =	strace $0xD0000000  }
0x3: {  	_ = 	snop  }
0x4: {  	_ = 	snop  }
0x5: {  	_ = 	snop  }
0x6: {  	_ = 	snop  }
0x7: {  	_ = 	snop  }
__scs_overlays_trampoline_lowered:
0x8: {  	[smem:$0x3FAD] =	sst s0  }
0x9: {  	[smem:$0x3FAE] =	sst s1  }
0xa: {  	[smem:$0x3FAF] =	sst s2  }
0xb: {  	[smem:$0x3FB0] =	sst s3  }
0xc: {  	[smem:$0x3FB1] =	sst s4  }
0xd: {  	[smem:$0x3FB2] =	sst s5  }
0xe: {  	[smem:$0x3FB3] =	sst s6  }
0xf: {  	[smem:$0x3FB4] =	sst s7  }
0x10: {  	[smem:$0x3FB5] =	sst s8  }
0x11: {  	[smem:$0x3FB6] =	sst s9;
	s0 =	simm.s32 @!p0 $0x0  }
0x12: {  	s1 =	sld [smem:$0x3F9C];
	s0 =	simm.s32 @p0 $0x1  }
0x13: {  	[smem:$0x3FB7] =	sst s0;
	s0 =	simm.s32 @!p1 $0x0  }
0x14: {  	s2 =	sld [smem:$0x3F9B];
	s0 =	simm.s32 @p1 $0x1  }
0x15: {  	[smem:$0x3FB8] =	sst s0;
	s0 =	simm.s32 @!p2 $0x0  }
0x16: {  	s3 =	sld [smem:$0x3FDB];
	s0 =	simm.s32 @p2 $0x1  }
0x17: {  	s4 =	simm.s32 $0x1BF5;
	[smem:$0x3FBA] =	sst s0  }
0x18: {  	s0 =	sld [smem:$0x3F9D];
	_ =	swait.ge [sflag:s4], $0x0  }
0x19: {  	s7 =	sld [smem:$0x3F9E]  }
0x1a: {  	s8 =	sadd.s32 $0xFFFFE003, lr  }
0x1b: {  	s9 =	sadd.s32 $0xFFFFFEF7, lr;
	s5 =	simm.s32 $0xFFFFFFFF;
	p2 =	slt.u32 s8, $0xFFFFF086  }
0x1c: {  	p1 =	slt.u32 s9, $0xF7A;
	s5 =	simm.s32 @!p2 $0x0  }
0x1d: {  	s5 =	simm.s32 @p1 $0x1;
	p0 =	seq.s32 s7, s2  }
0x1e: {  	s7 =	smul.u32 @!p0 $0xF7A, s2;
	p2 =	seq.s32 @!p0 s5, $0x0  }
0x1f: {  	s9 =	smul.u32 $0xF7A, s1;
	s8 =	simm.s32 @!p0 $0x1BF5;
	p2 =	por !p2, p0  }
0x20: {  	[sflag:s8] =	ssyncset.s32 @!p0 $0xFFFFF086;
	s6 =	sadd.s32 @!p0 s3, s7;
	s7 =	simm.s32 @!p0 $0x108  }
0x21: {  	s3 =	sadd.s32 s3, s9;
	s6 =	sadd.s32 @!p0 $0x88, s6;
	s7 =	simm.s32 @p2 $0x1082  }
0x22: {  	[simem:s7], [sflag:s8] =	dma.local @!p0 [hbm:s6], $0xF7A  }
0x23: {  	s9 =	sor.u32 $0xD0000000, s2;
	s6 =	simm.s32 $0x108;
	_ =	swait.ge @!p0 [sflag:s8], $0x0  }
0x24: {  	s3 =	sadd.s32 $0x88, s3;
	s6 =	simm.s32 @!p1 $0x1082;
	[sflag:s4] =	ssyncset.s32 $0xFFFFF086  }
0x25: {  	[simem:s6], [sflag:s4] =	dma.local [hbm:s3], $0xF7A  }
0x26: {  	[smem:$0x3F9E] =	sst s1;
	(tag) =	ssettag s2;
	_ =	strace s9  }
0x27: {  	s1 =	sld [smem:$0x3FAE]  }
0x28: {  	s2 =	sld [smem:$0x3FAF]  }
0x29: {  	s4 =	sld [smem:$0x3FB1]  }
0x2a: {  	p0 =	seq.s32 s5, $0x0;
	s5 =	sld [smem:$0x3FB2]  }
0x2b: {  	s6 =	sld [smem:$0x3FB3]  }
0x2c: {  	s7 =	sld [smem:$0x3FB4]  }
0x2d: {  	s3 =	simm.s32 $0x108;
	s8 =	sld [smem:$0x3FB5]  }
0x2e: {  	s3 =	simm.s32 @!p0 $0x1082;
	s9 =	sld [smem:$0x3FB6]  }
0x2f: {  	lr =	sadd.s32 s0, s3;
	s0 =	sld [smem:$0x3FAD]  }
0x30: {  	s3 =	sld [smem:$0x3FB0]  }
0x31: {  	[smem:$0x3FB9] =	sst s10  }
0x32: {  	s10 =	sld [smem:$0x3FB7];
	_ =	sdelay $0x3  }
0x33: {  	p0 =	seq.s32 s10, $0x1;
	s10 =	sld [smem:$0x3FB9];
	_ =	sdelay $0x3  }
0x34: {  	[smem:$0x3FB9] =	sst s10  }
0x35: {  	s10 =	sld [smem:$0x3FB8];
	_ =	sdelay $0x3  }
0x36: {  	p1 =	seq.s32 s10, $0x1;
	s10 =	sld [smem:$0x3FB9];
	_ =	sdelay $0x3  }
0x37: {  	[smem:$0x3FB9] =	sst s10  }
0x38: {  	s10 =	sld [smem:$0x3FBA]  }
0x39: {  	_ = 	snop;
	(pc) =	sbr.ind lr, $3  }
0x3a: {  	_ = 	snop  }
0x3b: {  	_ = 	snop  }
0x3c: {  	p2 =	seq.s32 s10, $0x1;
	s10 =	sld [smem:$0x3FB9]  }
0x3d: {  	_ =	shalt  }
0x3e: {  	_ =	shalt  }
0x3f: {  	_ =	shalt  }
0x40: {  	_ =	shalt  }
0x41: {  	_ =	shalt  }
0x42: {  	_ =	shalt  }
0x43: {  	_ =	shalt  }
0x44: {  	_ =	shalt  }
0x45: {  	_ =	shalt  }
0x46: {  	_ =	shalt  }
0x47: {  	_ =	shalt  }
0x48: {  	_ =	shalt  }
0x49: {  	_ =	shalt  }
0x4a: {  	_ =	shalt  }
0x4b: {  	_ =	shalt  }
0x4c: {  	_ =	shalt  }
0x4d: {  	_ =	shalt  }
0x4e: {  	_ =	shalt  }
0x4f: {  	_ =	shalt  }
0x50: {  	_ =	shalt  }
0x51: {  	_ =	shalt  }
0x52: {  	_ =	shalt  }
0x53: {  	_ =	shalt  }
0x54: {  	_ =	shalt  }
0x55: {  	_ =	shalt  }
0x56: {  	_ =	shalt  }
0x57: {  	_ =	shalt  }
0x58: {  	_ =	shalt  }
0x59: {  	_ =	shalt  }
0x5a: {  	_ =	shalt  }
0x5b: {  	_ =	shalt  }
0x5c: {  	_ =	shalt  }
0x5d: {  	_ =	shalt  }
0x5e: {  	_ =	shalt  }
0x5f: {  	_ =	shalt  }
0x60: {  	_ =	shalt  }
0x61: {  	_ =	shalt  }
0x62: {  	_ =	shalt  }
0x63: {  	_ =	shalt  }
0x64: {  	_ =	shalt  }
0x65: {  	_ =	shalt  }
0x66: {  	_ =	shalt  }
0x67: {  	_ =	shalt  }
0x68: {  	_ =	shalt  }
0x69: {  	_ =	shalt  }
0x6a: {  	_ =	shalt  }
0x6b: {  	_ =	shalt  }
0x6c: {  	_ =	shalt  }
0x6d: {  	_ =	shalt  }
0x6e: {  	_ =	shalt  }
0x6f: {  	_ =	shalt  }
0x70: {  	_ =	shalt  }
0x71: {  	_ =	shalt  }
0x72: {  	_ =	shalt  }
0x73: {  	_ =	shalt  }
0x74: {  	_ =	shalt  }
0x75: {  	_ =	shalt  }
0x76: {  	_ =	shalt  }
0x77: {  	_ =	shalt  }
0x78: {  	_ =	shalt  }
0x79: {  	_ =	shalt  }
0x7a: {  	_ =	shalt  }
0x7b: {  	_ =	shalt  }
0x7c: {  	_ =	shalt  }
0x7d: {  	_ =	shalt  }
0x7e: {  	_ =	shalt  }
0x7f: {  	_ =	shalt  }
0x80: {  	_ =	shalt  }
0x81: {  	_ =	shalt  }
0x82: {  	_ =	shalt  }
0x83: {  	_ =	shalt  }
0x84: {  	_ =	shalt  }
0x85: {  	_ =	shalt  }
0x86: {  	_ =	shalt  }
0x87: {  	_ =	shalt  }
.Lfunc_end0:
.L_simem_size_0:
called_computation_lowered:
.L_overlay_start_0:
0x88: {  	s2 =	sld [smem:$0x3FD9]  }
0x89: {  	s3 =	sld [smem:$0x3FFE];
	_ =	sdelay $0x1  }
0x8a: {  	s1 =	srdreg.scid  }
0x8b: {  	s0 =	sand.u32 $0x1, s1  }
0x8c: {  	s14 =	sshll.u32 s0, $0xA;
	s2 =	sadd.s32 s3, s2  }
0x8d: {  	s2 =	sadd.s32 s2, s14  }
0x8e: {  	[smem:$0x3FC5] =	sst s2  }
0x8f: {  	_ = 	snop  }
0x90: {  	s2 =	sld [smem:$0x3FD0];
	_ =	sdelay $0x2  }
0x91: {  	s15 =	simm.s32 $0xA;
	s4 =	simm.s32 $0x10  }
0x92: {  	[smem:s4], [sflag:s15] =	dma.local [hbm:s2], $0x1  }
0x93: {  	_ =	swait.eq [sflag:s15], $0x1  }
0x94: {  	s16 =	sld [smem:$0x10]  }
0x95: {  	s17 =	sld [smem:$0x11]  }
0x96: {  	s5 =	sld [smem:$0x12]  }
0x97: {  	s6 =	sld [smem:$0x13];
	[sflag:s15] =	ssyncset.done $0x0  }
0x98: {  	s7 =	sld [smem:$0x14];
	[sflag:s15] =	ssyncadd.s32 $0xFFFFFFFF  }
0x99: {  	s18 =	sld [smem:$0x15];
	(tm) =	ssettm $0x1  }
0x9a: {  	s8 =	sld [smem:$0x3FFB];
	_ =	sdelay $0x3  }
0x9b: {  	_ =	strace s8  }
0x9c: {  	s8 =	sld [smem:$0x3FFC];
	_ =	sdelay $0x3  }
0x9d: {  	_ =	strace s8  }
0x9e: {  	s8 =	sld [smem:$0x3FFD];
	_ =	sdelay $0x3  }
0x9f: {  	_ =	strace s8  }
0xa0: {  	_ =	strace $0x8FFFFFFF  }
0xa1: {  	s19 =	sld [smem:$0x3FDB];
	_ =	sdelay $0x1  }
0xa2: {  	s9 =	simm.s32 $_scs_section_size  }
0xa3: {  	s10 =	simm.s32 $_size__tile_overlayer_lowered;
	s11 =	simm.s32 $_tile_overlayer_lowered  }
0xa4: {  	s22 =	simm.s32 $0x1BFF;
	s21 =	sshll.u32 s11, $0x1;
	s8 =	sadd.s32 s9, s19  }
0xa5: {  	s12 =	simm.s32 $0x0;
	s20 =	sshll.u32 s10, $0x1;
	s10 =	sadd.s32 s21, s8  }
0xa6: {  	[timem:s12], [sflag:s22] =	dma.local [hbm:s10], s20  }
0xa7: {  	_ =	swait.ge [sflag:s22], s20  }
0xa8: {  	s9 =	ssub.s32 $0x0, s20;
	[sflag:s22] =	ssyncset.done $0x0  }
0xa9: {  	[sflag:s22] =	ssyncadd.s32 s9;
	_ =	sdelay $0x1  }
0xaa: {  	s23 =	simm.s32 $0x1B8B  }
0xab: {  	_ =	swait.ge [sflag:s23], $0x1  }
0xac: {  	[sflag:s23] =	ssyncset.done $0x0  }
0xad: {  	s25 =	simm.s32 $0x1B8E;
	s24 =	sld [smem:$0x3FFE];
	[sflag:s23] =	ssyncadd.s32 $0xFFFFFFFF  }
0xae: {  	s26 =	simm.s32 $execute0_lowered;
	[smem:$0x3FD2] =	sst s25  }
0xaf: {  	s10 =	sshll.u32 s26, $0x1;
	_ =	strace $0x80000046;
	[dreg:$0x1] =	wrdreg $0xFFFFFFFF  }
0xb0: {  	s28 =	simm.s32 $_size_execute0_lowered;
	s8 =	sadd.s32 s8, s10;
	[dreg:$0x0] =	wrdreg $0x0  }
0xb1: {  	s10 =	sshll.u32 s28, $0x1;
	[dreg:$0x2] =	wrdreg s8  }
0xb2: {  	[dreg:$0x3] =	wrdreg s10  }
0xb3: {  	[dreg:$0x4] =	wrdreg $0xC0  }
0xb4: {  	_ =	task [dreg:s12], $0x5FFFF  }
0xb5: {  	[dreg:$0x1] =	wrdreg $0xFFFFFFFF  }
0xb6: {  	[dreg:$0x0] =	wrdreg $0x60  }
0xb7: {  	[dreg:$0x2] =	wrdreg s18  }
0xb8: {  	[dreg:$0x3] =	wrdreg s7  }
0xb9: {  	[dreg:$0x4] =	wrdreg s24  }
0xba: {  	[dreg:$0x5] =	wrdreg s16  }
0xbb: {  	[dreg:$0x6] =	wrdreg s17  }
0xbc: {  	[dreg:$0x7] =	wrdreg s5  }
0xbd: {  	[dreg:$0x8] =	wrdreg s6  }
0xbe: {  	[dreg:$0x9] =	wrdreg $0x9  }
0xbf: {  	_ =	task.clear_ibuf [dreg:s12], $0xAFFFF;
	_ =	strace $0x90000046  }
0xc0: {  	s29 =	simm.s32 $0x9;
	_ =	strace $0x80000048  }
0xc1: {  	_ =	swait.ge [sflag:s29], $0x1  }
0xc2: {  	[sflag:s29] =	ssyncadd.s32 $0xFFFFFFFF  }
0xc3: {  	_ =	strace $0x90000048  }
0xc4: {  	_ =	sfence  }
0xc5: {  	s30 =	sld [smem:$0x0];
	_ =	sdelay $0x2  }
0xc6: {  	s31 =	sshll.u32 s1, $0xD;
	s1 =	sshrl.u32 s1, $0x2  }
0xc7: {  	s3 =	sand.u32 $0x4000, s31;
	s1 =	sadd.s32 s1, s30  }
0xc8: {  	s0 =	sor.u32 s3, s0;
	s1 =	sshll.u32 s1, $0x11  }
0xc9: {  	s0 =	sor.u32 s1, s0  }
0xca: {  	s0 =	sadd.s32 $0x8F2B, s0  }
0xcb: {  	[sflag:s0] =	ssyncadd.remote.s32 $0x1  }
0xcc: {  	_ =	sfence.sel $0xFFFF  }
0xcd: {  	[dreg:$0x0] =	wrdreg $0xFFFFFFFF;
	(pc) =	sbr.abs _section_cstart, $3  }
0xce: {  	[dreg:$0x1] =	wrdreg $0xFFFFFFFF  }
0xcf: {  	_ =	task.clear_ibuf [dreg:s12], $0x2FFFF;
	_ =	strace $0x9FFFFFFF  }
0xd0: {  	(tm) =	ssettm $0x7FFFFFFF  }
0xd1: {  	_ =	shalt  }
tec
execute0_lowered:
.L_overlay_start_1:
0x0: {  	(tag) =	ssettag $0x1  }
0x1: {  	s11 =	rddreg [dreg:$0x0]  }
0x2: {  	s5 =	rddreg [dreg:$0x1]  }
0x3: {  	s3 =	rddreg [dreg:$0x2];
	s1 =	stileid.u32  }
0x4: {  	s7 =	rddreg [dreg:$0x3];
	p0 =	sgt.u32 s1, $0x7  }
.Ltmp0:
0x5: {  	s8 =	rddreg [dreg:$0x4];
	(pc) =	sbr.rel @p0 .LBB2_7-.Ltmp0, $4  }
0x6: {  	s9 =	rddreg [dreg:$0x5]  }
0x7: {  	s10 =	rddreg [dreg:$0x6];
	s2 =	simm.s32 $0x0  }
0x8: {  	[smem:$0x7FF] =	sst s2  }
0x9: {  	s0 =	rddreg [dreg:$0x7];
	_ =	strace $0x80000047  }
0xa: {  	s4 =	srdreg.scid;
	s30 =	sshll.u32 s1, $0x5;
	s6 =	sshll.u32 s1, $0x9  }
0xb: {  	s15 =	simm.s32 $0x1;
	s16 =	simm.s32 $0x800;
	s17 =	simm.s32 $0x1800  }
0xc: {  	s18 =	simm.s32 $0x2800;
	s19 =	simm.s32 $0x3000;
	s12 =	sand.u32 $0x1, s4  }
0xd: {  	s20 =	simm.s32 $0x1000;
	s4 =	sand.u32 $0x60, s30;
	s13 =	sshll.u32 s12, $0x4  }
0xe: {  	s6 =	sand.u32 $0x800, s6;
	s12 =	ssub.s32 $0x2, s12;
	s4 =	sor.u32 s13, s4  }
0xf: {  	s28 =	simm.s32 $0x800;
	s31 =	sshrl.u32 s12, $0x1;
	s13 =	sor.u32 s6, s4  }
0x10: {  	s12 =	ssub.s32 s12, s31;
	s6 =	sadd.s32 s13, s3;
	s14 =	sor.u32 $0x1000, s13  }
0x11: {  	s4 =	sadd.s32 s5, s13;
	s7 =	sadd.s32 s7, s13;
	s8 =	sadd.s32 s8, s13  }
0x12: {  	s9 =	sadd.s32 s9, s13;
	s10 =	sadd.s32 s10, s13;
	s12 =	smax.u32 s12, $0x1  }
0x13: {  	s3 =	sadd.s32 s11, s14;
	s5 =	sadd.s32 s5, s14;
	s6 =	sadd.s32 $0x1E00, s6  }
0x14: {  	v0 =	vlaneseq.u32;
	v1 =	vimm.s32 $0xFFFFFFFE;
	s11 =	sadd.s32 s11, s13;
	s13 =	simm.s32 $0x80;
	s14 =	simm.s32 $0x400  }
.LBB2_2:
0x15: {  	s21 =	simm.s32 $0x0  }
0x16: {  	[tilespmem:s21], [sflag:$0x1] =	stream.strided.gather [hbm4b:s11+s13], $0x800, s14, s13, $0x38;
	[tilespmem:$0x3800] =	vst v63  }
0x17: {  	_ =	swait.ge [sflag:s15], $0x800  }
0x18: {  	[sflag:s15] =	ssyncset.done $0x0  }
0x19: {  	[sflag:s15] =	ssyncadd.s32 $0xFFFFF800  }
0x1a: {  	[tilespmem:s16], [sflag:$0x1] =	stream.strided.gather [hbm4b:s3+s13], $0x800, s14, s13, $0x38;
	[tilespmem:$0x3800] =	vst v63  }
0x1b: {  	_ =	swait.ge [sflag:s15], $0x800  }
0x1c: {  	[sflag:s15] =	ssyncset.done $0x0  }
0x1d: {  	[sflag:s15] =	ssyncadd.s32 $0xFFFFF800  }
0x1e: {  	[tilespmem:s20], [sflag:$0x1] =	stream.strided.gather [hbm4b:s4+s13], $0x800, s14, s13, $0x38;
	[tilespmem:$0x3800] =	vst v63  }
0x1f: {  	_ =	swait.ge [sflag:s15], $0x800  }
0x20: {  	[sflag:s15] =	ssyncset.done $0x0  }
0x21: {  	[sflag:s15] =	ssyncadd.s32 $0xFFFFF800  }
0x22: {  	[tilespmem:s17], [sflag:$0x1] =	stream.strided.gather [hbm4b:s5+s13], $0x800, s14, s13, $0x38;
	[tilespmem:$0x3800] =	vst v63  }
0x23: {  	_ =	swait.ge [sflag:s15], $0x800  }
0x24: {  	[sflag:s15] =	ssyncset.done $0x0  }
0x25: {  	s22 =	simm.s32 $0x2000;
	[sflag:s15] =	ssyncadd.s32 $0xFFFFF800  }
0x26: {  	[tilespmem:s22], [sflag:$0x1] =	stream.strided.gather [hbm4b:s6+s13], $0x800, s14, s13, $0x38;
	[tilespmem:$0x3800] =	vst v63  }
0x27: {  	_ =	swait.ge [sflag:s15], $0x800  }
0x28: {  	s23 =	simm.s32 $0x2800;
	s24 =	simm.s32 $0x1000;
	[sflag:s15] =	ssyncset.done $0x0  }
0x29: {  	s25 =	simm.s32 $0x0;
	s26 =	simm.s32 $0x0;
	[sflag:s15] =	ssyncadd.s32 $0xFFFFF800  }
.LBB2_3:
0x2a: {  	v2 =	vld [tilespmem:s25+$0x0];
	_ =	sdelay $0x5  }
0x2b: {  	v4 =	vld [tilespmem:s24+$0x0]  }
0x2c: {  	v5 =	vld [tilespmem:s22+$0x0]  }
0x2d: {  	v3 =	vld.idx.msk [tilespmem:v2+s28+$0x0], $0xffff;
	_ =	sdelay $0x3  }
0x2e: {  	v6 =	vor.u32 s26, v0;
	p0 =	sne.s32 s26, $0x7F0  }
.Ltmp1:
0x2f: {  	vm1 =	veq.s32 v5, $0x0;
	vm2 =	vgt.f32 v4, $3.000000000e+00;
	vm0 =	veq.s32 v3, v6;
	(pc) =	sbr.rel @p0 .LBB2_3-.Ltmp1, $4  }
0x30: {  	vm14 =	vmor vm2, vm1;
	v2 =	vnsel vm0, $0xFFFFFFFF, v2  }
0x31: {  	vm15 =	vgt.f32 v4, $5.000000000e+00;
	v2 =	vsel vm14, $0xFFFFFFFE, v2  }
0x32: {  	s25 =	sadd.s32 $0x10, s25;
	s24 =	sadd.s32 $0x10, s24;
	v2 =	vsel vm15, $0xFFFFFFFF, v2  }
0x33: {  	s22 =	sadd.s32 $0x10, s22;
	s26 =	sadd.s32 $0x10, s26;
	[tilespmem:s23+$0x0] =	vst v2;
	s23 =	sadd.s32 $0x10, s23  }
0x34: {  	v2 =	vld [tilespmem:s28+$0x0];
	_ =	sdelay $0x5  }
0x35: {  	s22 =	simm.s32 $0x1800  }
0x36: {  	v3 =	vld [tilespmem:s22+$0x0]  }
0x37: {  	v4 =	vld.idx.msk [tilespmem:v2+s18+$0x0], $0xffff;
	_ =	sdelay $0x3  }
0x38: {  	v5 =	vor.u32 s21, v0;
	vm0 =	vgt.f32 v3, $5.000000000e+00  }
0x39: {  	v3 =	vsel vm0, $0xFFFFFFFF, v1;
	vm15 =	veq.s32 v4, v5  }
0x3a: {  	s21 =	simm.s32 $0x3000;
	v2 =	vsel vm15, v2, v3  }
0x3b: {  	s24 =	simm.s32 $0x810;
	[tilespmem:s21+$0x0] =	vst v2  }
0x3c: {  	s23 =	simm.s32 $0x10;
	s25 =	simm.s32 $0x20;
	v2 =	vld [tilespmem:s24+$0x0]  }
.LBB2_5:
0x3d: {  	p0 =	sne.s32 s25, $0x7F0;
	_ =	sdelay $0x4  }
0x3e: {  	s22 =	sadd.s32 $0x10, s22  }
0x3f: {  	v3 =	vld [tilespmem:s22+$0x0]  }
0x40: {  	v4 =	vld.idx.msk [tilespmem:v2+s18+$0x0], $0xffff;
	_ =	sdelay $0x4  }
.Ltmp2:
0x41: {  	v5 =	vor.u32 s23, v0;
	s23 =	smov.u32 s25;
	vm0 =	vgt.f32 v3, $5.000000000e+00;
	(pc) =	sbr.rel @p0 .LBB2_5-.Ltmp2, $4  }
0x42: {  	v3 =	vsel vm0, $0xFFFFFFFF, v1;
	vm0 =	veq.s32 v4, v5  }
0x43: {  	s21 =	sadd.s32 $0x10, s21;
	v2 =	vsel vm0, v2, v3  }
0x44: {  	s24 =	sadd.s32 $0x10, s24;
	[tilespmem:s21+$0x0] =	vst v2  }
0x45: {  	s25 =	sadd.s32 $0x10, s25;
	v2 =	vld [tilespmem:s24+$0x0]  }
0x46: {  	_ =	sdelay $0x5  }
0x47: {  	s22 =	sadd.s32 $0x10, s22  }
0x48: {  	v3 =	vld [tilespmem:s22+$0x0]  }
0x49: {  	v4 =	vld.idx.msk [tilespmem:v2+s18+$0x0], $0xffff;
	_ =	sdelay $0x3  }
0x4a: {  	v5 =	vor.u32 s23, v0;
	vm0 =	vgt.f32 v3, $5.000000000e+00  }
0x4b: {  	v3 =	vsel vm0, $0xFFFFFFFF, v1;
	vm15 =	veq.s32 v4, v5  }
0x4c: {  	s21 =	sadd.s32 $0x10, s21;
	v2 =	vsel vm15, v2, v3  }
0x4d: {  	[tilespmem:s21+$0x0] =	vst v2  }
0x4e: {  	[hbm4b:s7+s13] =	stream.strided.scatter [tilespmem:s18], [sflag:$0x1], $0x800, s14, s13, $0x38;
	[tilespmem:$0x3800] =	vst v63  }
0x4f: {  	_ =	swait.ge [sflag:s15], $0x800  }
0x50: {  	[sflag:s15] =	ssyncset.done $0x0  }
0x51: {  	[sflag:s15] =	ssyncadd.s32 $0xFFFFF800  }
0x52: {  	[hbm4b:s8+s13] =	stream.strided.scatter [tilespmem:s19], [sflag:$0x1], $0x800, s14, s13, $0x38;
	[tilespmem:$0x3800] =	vst v63  }
0x53: {  	_ =	swait.ge [sflag:s15], $0x800  }
0x54: {  	[sflag:s15] =	ssyncset.done $0x0  }
0x55: {  	[sflag:s15] =	ssyncadd.s32 $0xFFFFF800  }
0x56: {  	[hbm4b:s9+s13] =	stream.strided.scatter [tilespmem:s20], [sflag:$0x1], $0x800, s14, s13, $0x38;
	[tilespmem:$0x3800] =	vst v63  }
0x57: {  	s2 =	sadd.s32 $0x1, s2;
	_ =	swait.ge [sflag:s15], $0x800  }
0x58: {  	p0 =	sne.s32 s2, s12;
	[sflag:s15] =	ssyncset.done $0x0  }
.Ltmp3:
0x59: {  	[sflag:s15] =	ssyncadd.s32 $0xFFFFF800;
	(pc) =	sbr.rel @p0 .LBB2_2-.Ltmp3, $4  }
0x5a: {  	[hbm4b:s10+s13] =	stream.strided.scatter [tilespmem:s17], [sflag:$0x1], $0x800, s14, s13, $0x38;
	[tilespmem:$0x3800] =	vst v63  }
0x5b: {  	_ =	swait.ge [sflag:s15], $0x800  }
0x5c: {  	[sflag:s15] =	ssyncset.done $0x0  }
0x5d: {  	[sflag:s15] =	ssyncadd.s32 $0xFFFFF800  }
.LBB2_7:
0x5e: {  	_ =	sfence.sel $0x180000  }
0x5f: {  	[bflag:$0x0] =	sbarrier.arrive $0xFFFF  }
0x60: {  	p0 =	sne.s32 s1, $0x0;
	_ =	strace $0x90000047  }
0x61: {  	s0 =	sadd.s32 @!p0 $0x100000, s0;
	[bflag:$0x2] =	sbarrier.arrive $0xFFFF  }
0x62: {  	[sflag:s0] =	ssyncadd.tile.s32 @!p0 $0x1;
	_ =	shalt  }
.Lfunc_end2:
_tile_overlayer_lowered:
.L_overlay_start_2:
0x63: {  	(tag) =	ssettag $0x2  }
0x64: {  	s0 =	rddreg [dreg:$0x0];
	s2 =	stileid.u32  }
0x65: {  	s1 =	rddreg [dreg:$0x1];
	p0 =	sne.s32 s2, $0x0  }
0x66: {  	s3 =	rddreg [dreg:$0x2];
	[bflag:$0x3] =	sbarrier.arrive $0xFFFF;
	s2 =	simm.s32 @!p0 $0x1C01  }
0x67: {  	[timem:s3], [sflag:s2] =	dma.local @!p0 [hbm:s0], s1  }
0x68: {  	s0 =	simm.s32 @!p0 $0x1  }
0x69: {  	_ =	swait.ge @!p0 [sflag:s0], s1  }
0x6a: {  	s1 =	ssub.s32 @!p0 $0x0, s1;
	[sflag:s0] =	ssyncset.done @!p0 $0x0  }
0x6b: {  	[sflag:s0] =	ssyncadd.s32 @!p0 s1  }
0x6c: {  	[bflag:$0x3] =	sbarrier.arrive $0xFFFF  }
0x6d: {  	_ =	shalt  }

</sc_bundles>
